<compile_context>
chip_gen: v7x
topology: tpu7x:2x2x1
jax: 0.10.2.dev20260603
libtpu: 0.0.44.dev20260713+nightly
codegen_flags: <defaults>
</compile_context>

<pallas_src>
import functools

import jax
import jax.numpy as jnp
from jax import lax
from jax.experimental import pallas as pl
from jax.experimental.pallas import tpu as pltpu
from jax.experimental.pallas import tpu_sc as plsc

_NUM_CLASSES = 5
_DIM = 256
_REPEAT = 128
_LANES = 16
_NW = 16
_ROWS_PER_W = _REPEAT // _NW


def _sc_body(lab_hbm, tab_hbm, out_hbm, lab_v, tab_v, buf_v, sem_l, sem_t):
    wid = lax.axis_index("s")
    cp_l = pltpu.make_async_copy(lab_hbm, lab_v.at[pl.ds(0, _NUM_CLASSES)],
                                 sem_l)
    cp_t = pltpu.make_async_copy(tab_hbm, tab_v, sem_t)
    cp_l.start()
    cp_t.start()
    cp_l.wait()
    cp_t.wait()
    lv = lab_v[:]
    m = [jnp.where(lv[i] == 1, 1.0, 0.0) for i in range(_NUM_CLASSES)]
    count = m[0] + m[1] + m[2] + m[3] + m[4]
    has_active = count > 0.0
    inv = jnp.where(count > 4.5, 0.2,
          jnp.where(count > 3.5, 0.25,
          jnp.where(count > 2.5, 1.0 / 3.0,
          jnp.where(count > 1.5, 0.5, 1.0))))
    w = [inv * jnp.where(has_active, m[i], 1.0 if i == 0 else 0.0)
         for i in range(_NUM_CLASSES)]

    def chunk_body(c, _):
        sl = pl.ds(c * _LANES, _LANES)
        acc = w[0] * tab_v[0, sl]
        for i in range(1, _NUM_CLASSES):
            acc = acc + w[i] * tab_v[i, sl]

        def row_body(r, _):
            buf_v[r, sl] = acc
            return 0

        return lax.fori_loop(0, _ROWS_PER_W, row_body, 0)

    lax.fori_loop(0, _DIM // _LANES, chunk_body, 0)
    pltpu.sync_copy(buf_v,
                    out_hbm.at[0, pl.ds(wid * _ROWS_PER_W, _ROWS_PER_W)])


@jax.jit
def _run(labels, table):
    f = functools.partial(
        pl.kernel,
        mesh=plsc.VectorSubcoreMesh(core_axis_name="c", subcore_axis_name="s",
                                    num_cores=1),
        out_type=jax.ShapeDtypeStruct((1, _REPEAT, _DIM), jnp.float32),
        scratch_types=[
            pltpu.VMEM((_LANES,), jnp.int32),
            pltpu.VMEM((_NUM_CLASSES, _DIM), jnp.float32),
            pltpu.VMEM((_ROWS_PER_W, _DIM), jnp.float32),
            pltpu.SemaphoreType.DMA,
            pltpu.SemaphoreType.DMA,
        ],
    )(_sc_body)
    return f(labels, table)


def kernel(disease_labels_batch, precomputed_embeddings):
    labels = disease_labels_batch.reshape(-1).astype(jnp.int32)
    return _run(labels, precomputed_embeddings)

# --- scband reference (transcript-rebuilt; emitter-appended) ---
"""Pipeline reference for scband-get-embd-31482110279996 (READ-ONLY COPY).

The authoritative reference and input builder live on the scoring server;
editing this copy changes nothing except your own understanding.
"""

import jax, jax.numpy as jnp
import numpy as np

NUM_CLASSES = 5
PROJECT_DIM = 256
REPEAT = 128


def setup_inputs(seed: int = 0) -> dict:
    key = jax.random.key(seed)
    k1, k2 = jax.random.split(key)
    # multi-hot disease labels, values in {0, 1}
    disease_labels_batch = jax.random.randint(k1, (1, NUM_CLASSES), 0, 2)
    # stand-in for the frozen, precomputed BERT disease-description embeddings
    # (original: dict idx -> [1, 256]; here a dense table [5, 256])
    precomputed_embeddings = jax.random.normal(k2, (NUM_CLASSES, PROJECT_DIM), dtype=jnp.float32)
    return {"disease_labels_batch": disease_labels_batch,
            "precomputed_embeddings": precomputed_embeddings}


def reference(disease_labels_batch, precomputed_embeddings):
    # batch_size is hardcoded to 1 in the original module
    labels = disease_labels_batch[0]  # [5]
    mask = (labels == 1).astype(jnp.float32)  # active label indicator
    has_active = jnp.sum(mask) > 0
    # original falls back to label 0 when no labels are active
    fallback = jnp.zeros_like(mask).at[0].set(1.0)
    w = jnp.where(has_active, mask, fallback)  # [5]
    # mean over selected embeddings == weighted sum / count
    selected_sum = jnp.sum(w[:, None] * precomputed_embeddings, axis=0)  # [256]
    final_embedding = selected_sum / jnp.sum(w)  # [256]
    # .repeat(128, 1) -> [128, 256]
    final_embedding = jnp.tile(final_embedding[None, :], (REPEAT, 1))
    # original returns a python list of per-sample tensors; stack to [1, 128, 256]
    return final_embedding[None, :, :]

if __name__ == "__main__":
    import jax
    _d = setup_inputs()
    print(jax.jit(kernel)(*tuple(_d.values())))

</pallas_src>

<mosaic_0001>
#map = affine_map<(d0, d1) -> (0)>
#map1 = affine_map<(d0, d1) -> (0, 0)>
#map2 = affine_map<(d0, d1) -> (0, 0, 0)>
module attributes {stable_mosaic.version = 14 : i64} {
  func.func @_sc_body(%arg0: i32, %arg1: i32, %arg2: memref<5xi32, #tpu.memory_space<hbm>>, %arg3: memref<5x256xf32, #tpu.memory_space<hbm>>, %arg4: memref<1x128x256xf32, #tpu.memory_space<hbm>>, %arg5: memref<16xi32, #tpu.memory_space<vmem>>, %arg6: memref<5x256xf32, #tpu.memory_space<vmem>>, %arg7: memref<8x256xf32, #tpu.memory_space<vmem>>, %arg8: memref<!tpu.dma_semaphore, #tpu.memory_space<semaphore_mem>>, %arg9: memref<!tpu.dma_semaphore, #tpu.memory_space<semaphore_mem>>) attributes {dimension_semantics = [#tpu.dimension_semantics<core_parallel>, #tpu.dimension_semantics<subcore_parallel>], iteration_bounds = array<i64: 1, 16>, scalar_prefetch = 0 : i64, scratch_operands = 5 : i64, tpu.core_type = #tpu.core_type<sc_vector_subcore>, window_params = [{transform_indices = #map}, {transform_indices = #map1}, {transform_indices = #map2}]} {
    %dma_start3A = arith.constant 0 : i32
    %dma_start3A_0 = tpu.memref_slice %arg5[%dma_start3A] : memref<16xi32, #tpu.memory_space<vmem>> -> memref<5xi32, #tpu.memory_space<vmem>>
    %dma_start3A_1 = arith.constant 0 : i32
    %dma_start3A_2 = tpu.memref_slice %arg5[%dma_start3A_1] : memref<16xi32, #tpu.memory_space<vmem>> -> memref<5xi32, #tpu.memory_space<vmem>>
    tpu.enqueue_dma source(%arg2 : memref<5xi32, #tpu.memory_space<hbm>>) target(%dma_start3A_2 : memref<5xi32, #tpu.memory_space<vmem>>) target_semaphore(%arg8 : memref<!tpu.dma_semaphore, #tpu.memory_space<semaphore_mem>>)
    tpu.enqueue_dma source(%arg3 : memref<5x256xf32, #tpu.memory_space<hbm>>) target(%arg6 : memref<5x256xf32, #tpu.memory_space<vmem>>) target_semaphore(%arg9 : memref<!tpu.dma_semaphore, #tpu.memory_space<semaphore_mem>>)
    %dma_wait3A = arith.constant 0 : i32
    %dma_wait3A_3 = tpu.memref_slice %arg5[%dma_wait3A] : memref<16xi32, #tpu.memory_space<vmem>> -> memref<5xi32, #tpu.memory_space<vmem>>
    %dma_wait3A_4 = arith.constant 0 : i32
    %dma_wait3A_5 = tpu.memref_slice %arg5[%dma_wait3A_4] : memref<16xi32, #tpu.memory_space<vmem>> -> memref<5xi32, #tpu.memory_space<vmem>>
    tpu.wait_dma2 semaphore(%arg8 : memref<!tpu.dma_semaphore, #tpu.memory_space<semaphore_mem>>) src(%arg2 : memref<5xi32, #tpu.memory_space<hbm>>) dst(%dma_wait3A_5 : memref<5xi32, #tpu.memory_space<vmem>>)
    tpu.wait_dma2 semaphore(%arg9 : memref<!tpu.dma_semaphore, #tpu.memory_space<semaphore_mem>>) src(%arg3 : memref<5x256xf32, #tpu.memory_space<hbm>>) dst(%arg6 : memref<5x256xf32, #tpu.memory_space<vmem>>)
    %get3A = arith.constant 0 : index
    %get3A_6 = tpu.vector_load %arg5[%get3A] {strides = array<i32>} : memref<16xi32, #tpu.memory_space<vmem>>, vector<16xi32>,
    %get3A_7 = vector.shape_cast %get3A_6 : vector<16xi32> to vector<16xi32>
    %slice3A = vector.extract_strided_slice %get3A_7 {offsets = [0], sizes = [1], strides = [1]} : vector<16xi32> to vector<1xi32>
    %squeeze3A = vector.extract %slice3A[0] : i32 from vector<1xi32>
    %eq3A = arith.constant 1 : i32
    %eq3A_8 = arith.cmpi eq, %squeeze3A, %eq3A : i32
    %jit3A = arith.constant 1.000000e+00 : f32
    %jit3A_9 = arith.constant 0.000000e+00 : f32
    %select_n3A = arith.select %eq3A_8, %jit3A, %jit3A_9 : f32
    %slice3A_10 = vector.extract_strided_slice %get3A_7 {offsets = [1], sizes = [1], strides = [1]} : vector<16xi32> to vector<1xi32>
    %squeeze3A_11 = vector.extract %slice3A_10[0] : i32 from vector<1xi32>
    %eq3A_12 = arith.constant 1 : i32
    %eq3A_13 = arith.cmpi eq, %squeeze3A_11, %eq3A_12 : i32
    %jit3A_14 = arith.constant 1.000000e+00 : f32
    %jit3A_15 = arith.constant 0.000000e+00 : f32
    %select_n3A_16 = arith.select %eq3A_13, %jit3A_14, %jit3A_15 : f32
    %slice3A_17 = vector.extract_strided_slice %get3A_7 {offsets = [2], sizes = [1], strides = [1]} : vector<16xi32> to vector<1xi32>
    %squeeze3A_18 = vector.extract %slice3A_17[0] : i32 from vector<1xi32>
    %eq3A_19 = arith.constant 1 : i32
    %eq3A_20 = arith.cmpi eq, %squeeze3A_18, %eq3A_19 : i32
    %jit3A_21 = arith.constant 1.000000e+00 : f32
    %jit3A_22 = arith.constant 0.000000e+00 : f32
    %select_n3A_23 = arith.select %eq3A_20, %jit3A_21, %jit3A_22 : f32
    %slice3A_24 = vector.extract_strided_slice %get3A_7 {offsets = [3], sizes = [1], strides = [1]} : vector<16xi32> to vector<1xi32>
    %squeeze3A_25 = vector.extract %slice3A_24[0] : i32 from vector<1xi32>
    %eq3A_26 = arith.constant 1 : i32
    %eq3A_27 = arith.cmpi eq, %squeeze3A_25, %eq3A_26 : i32
    %jit3A_28 = arith.constant 1.000000e+00 : f32
    %jit3A_29 = arith.constant 0.000000e+00 : f32
    %select_n3A_30 = arith.select %eq3A_27, %jit3A_28, %jit3A_29 : f32
    %slice3A_31 = vector.extract_strided_slice %get3A_7 {offsets = [4], sizes = [1], strides = [1]} : vector<16xi32> to vector<1xi32>
    %squeeze3A_32 = vector.extract %slice3A_31[0] : i32 from vector<1xi32>
    %eq3A_33 = arith.constant 1 : i32
    %eq3A_34 = arith.cmpi eq, %squeeze3A_32, %eq3A_33 : i32
    %jit3A_35 = arith.constant 1.000000e+00 : f32
    %jit3A_36 = arith.constant 0.000000e+00 : f32
    %select_n3A_37 = arith.select %eq3A_34, %jit3A_35, %jit3A_36 : f32
    %add3A = arith.addf %select_n3A, %select_n3A_16 : f32
    %add3A_38 = arith.addf %add3A, %select_n3A_23 : f32
    %add3A_39 = arith.addf %add3A_38, %select_n3A_30 : f32
    %add3A_40 = arith.addf %add3A_39, %select_n3A_37 : f32
    %gt3A = arith.constant 0.000000e+00 : f32
    %gt3A_41 = arith.cmpf ogt, %add3A_40, %gt3A : f32
    %gt3A_42 = arith.constant 4.500000e+00 : f32
    %gt3A_43 = arith.cmpf ogt, %add3A_40, %gt3A_42 : f32
    %gt3A_44 = arith.constant 3.500000e+00 : f32
    %gt3A_45 = arith.cmpf ogt, %add3A_40, %gt3A_44 : f32
    %gt3A_46 = arith.constant 2.500000e+00 : f32
    %gt3A_47 = arith.cmpf ogt, %add3A_40, %gt3A_46 : f32
    %gt3A_48 = arith.constant 1.500000e+00 : f32
    %gt3A_49 = arith.cmpf ogt, %add3A_40, %gt3A_48 : f32
    %jit3A_50 = arith.constant 5.000000e-01 : f32
    %jit3A_51 = arith.constant 1.000000e+00 : f32
    %select_n3A_52 = arith.select %gt3A_49, %jit3A_50, %jit3A_51 : f32
    %jit3A_53 = arith.constant 0.333333343 : f32
    %select_n3A_54 = arith.select %gt3A_47, %jit3A_53, %select_n3A_52 : f32
    %jit3A_55 = arith.constant 2.500000e-01 : f32
    %select_n3A_56 = arith.select %gt3A_45, %jit3A_55, %select_n3A_54 : f32
    %jit3A_57 = arith.constant 2.000000e-01 : f32
    %select_n3A_58 = arith.select %gt3A_43, %jit3A_57, %select_n3A_56 : f32
    %jit3A_59 = arith.constant 1.000000e+00 : f32
    %select_n3A_60 = arith.select %gt3A_41, %select_n3A, %jit3A_59 : f32
    %mul3A = arith.mulf %select_n3A_58, %select_n3A_60 : f32
    %jit3A_61 = arith.constant 0.000000e+00 : f32
    %select_n3A_62 = arith.select %gt3A_41, %select_n3A_16, %jit3A_61 : f32
    %mul3A_63 = arith.mulf %select_n3A_58, %select_n3A_62 : f32
    %jit3A_64 = arith.constant 0.000000e+00 : f32
    %select_n3A_65 = arith.select %gt3A_41, %select_n3A_23, %jit3A_64 : f32
    %mul3A_66 = arith.mulf %select_n3A_58, %select_n3A_65 : f32
    %jit3A_67 = arith.constant 0.000000e+00 : f32
    %select_n3A_68 = arith.select %gt3A_41, %select_n3A_30, %jit3A_67 : f32
    %mul3A_69 = arith.mulf %select_n3A_58, %select_n3A_68 : f32
    %jit3A_70 = arith.constant 0.000000e+00 : f32
    %select_n3A_71 = arith.select %gt3A_41, %select_n3A_37, %jit3A_70 : f32
    %mul3A_72 = arith.mulf %select_n3A_58, %select_n3A_71 : f32
    %scan3A = arith.constant 0 : i32
    %scan3A_73 = arith.constant 0 : i32
    %scan3A_74 = arith.constant 16 : i32
    %scan3A_75 = arith.addi %scan3A_73, %scan3A_74 : i32
    %scan3A_76 = arith.constant 1 : i32
    %scan3A_77 = scf.for %scan3A_81 = %scan3A_73 to %scan3A_75 step %scan3A_76 iter_args(%scan3A_82 = %scan3A) -> (i32)  : i32 {
      %mul3A_83 = arith.constant 16 : i32
      %mul3A_84 = arith.muli %scan3A_81, %mul3A_83 : i32
      %get3A_85 = arith.constant 0 : i32
      %get3A_86 = arith.index_cast %get3A_85 : i32 to index
      %get3A_87 = arith.index_cast %mul3A_84 : i32 to index
      %get3A_88 = tpu.vector_load %arg6[%get3A_86, %get3A_87] {strides = array<i32>} : memref<5x256xf32, #tpu.memory_space<vmem>>, vector<1x16xf32>,
      %get3A_89 = vector.shape_cast %get3A_88 : vector<1x16xf32> to vector<16xf32>
      %mul3A_90 = vector.broadcast %mul3A : f32 to vector<16xf32>
      %mul3A_91 = arith.mulf %mul3A_90, %get3A_89 : vector<16xf32>
      %get3A_92 = arith.constant 1 : i32
      %get3A_93 = arith.index_cast %get3A_92 : i32 to index
      %get3A_94 = arith.index_cast %mul3A_84 : i32 to index
      %get3A_95 = tpu.vector_load %arg6[%get3A_93, %get3A_94] {strides = array<i32>} : memref<5x256xf32, #tpu.memory_space<vmem>>, vector<1x16xf32>,
      %get3A_96 = vector.shape_cast %get3A_95 : vector<1x16xf32> to vector<16xf32>
      %mul3A_97 = vector.broadcast %mul3A_63 : f32 to vector<16xf32>
      %mul3A_98 = arith.mulf %mul3A_97, %get3A_96 : vector<16xf32>
      %add3A_99 = arith.addf %mul3A_91, %mul3A_98 : vector<16xf32>
      %get3A_100 = arith.constant 2 : i32
      %get3A_101 = arith.index_cast %get3A_100 : i32 to index
      %get3A_102 = arith.index_cast %mul3A_84 : i32 to index
      %get3A_103 = tpu.vector_load %arg6[%get3A_101, %get3A_102] {strides = array<i32>} : memref<5x256xf32, #tpu.memory_space<vmem>>, vector<1x16xf32>,
      %get3A_104 = vector.shape_cast %get3A_103 : vector<1x16xf32> to vector<16xf32>
      %mul3A_105 = vector.broadcast %mul3A_66 : f32 to vector<16xf32>
      %mul3A_106 = arith.mulf %mul3A_105, %get3A_104 : vector<16xf32>
      %add3A_107 = arith.addf %add3A_99, %mul3A_106 : vector<16xf32>
      %get3A_108 = arith.constant 3 : i32
      %get3A_109 = arith.index_cast %get3A_108 : i32 to index
      %get3A_110 = arith.index_cast %mul3A_84 : i32 to index
      %get3A_111 = tpu.vector_load %arg6[%get3A_109, %get3A_110] {strides = array<i32>} : memref<5x256xf32, #tpu.memory_space<vmem>>, vector<1x16xf32>,
      %get3A_112 = vector.shape_cast %get3A_111 : vector<1x16xf32> to vector<16xf32>
      %mul3A_113 = vector.broadcast %mul3A_69 : f32 to vector<16xf32>
      %mul3A_114 = arith.mulf %mul3A_113, %get3A_112 : vector<16xf32>
      %add3A_115 = arith.addf %add3A_107, %mul3A_114 : vector<16xf32>
      %get3A_116 = arith.constant 4 : i32
      %get3A_117 = arith.index_cast %get3A_116 : i32 to index
      %get3A_118 = arith.index_cast %mul3A_84 : i32 to index
      %get3A_119 = tpu.vector_load %arg6[%get3A_117, %get3A_118] {strides = array<i32>} : memref<5x256xf32, #tpu.memory_space<vmem>>, vector<1x16xf32>,
      %get3A_120 = vector.shape_cast %get3A_119 : vector<1x16xf32> to vector<16xf32>
      %mul3A_121 = vector.broadcast %mul3A_72 : f32 to vector<16xf32>
      %mul3A_122 = arith.mulf %mul3A_121, %get3A_120 : vector<16xf32>
      %add3A_123 = arith.addf %add3A_115, %mul3A_122 : vector<16xf32>
      %scan3A_124 = arith.constant 0 : i32
      %scan3A_125 = arith.constant 0 : i32
      %scan3A_126 = arith.constant 8 : i32
      %scan3A_127 = arith.addi %scan3A_125, %scan3A_126 : i32
      %scan3A_128 = arith.constant 1 : i32
      %scan3A_129 = scf.for %scan3A_131 = %scan3A_125 to %scan3A_127 step %scan3A_128 iter_args(%scan3A_132 = %scan3A_124) -> (i32)  : i32 {
        %swap3A = arith.index_cast %scan3A_131 : i32 to index
        %swap3A_133 = arith.index_cast %mul3A_84 : i32 to index
        %swap3A_134 = tpu.vector_load %arg7[%swap3A, %swap3A_133] {strides = array<i32>} : memref<8x256xf32, #tpu.memory_space<vmem>>, vector<1x16xf32>,
        %swap3A_135 = vector.shape_cast %swap3A_134 : vector<1x16xf32> to vector<16xf32>
        %swap3A_136 = vector.shape_cast %add3A_123 : vector<16xf32> to vector<1x16xf32>
        tpu.vector_store %arg7[%swap3A, %swap3A_133], %swap3A_136 {strides = array<i32>} : memref<8x256xf32, #tpu.memory_space<vmem>>, vector<1x16xf32>,
        %scan3A_137 = arith.constant 0 : i32
        scf.yield %scan3A_137 : i32
      }
      %scan3A_130 = arith.constant 8 : i32
      scf.yield %scan3A_129 : i32
    }
    %scan3A_78 = arith.constant 16 : i32
    %mul3A_79 = arith.constant 8 : i32
    %mul3A_80 = arith.muli %arg1, %mul3A_79 : i32
    %run_scoped3A = arith.constant 0 : i32
    "tpu.region"() ({
      %run_scoped3A_81 = tpu.sem_alloc : memref<!tpu.dma_semaphore, #tpu.memory_space<semaphore_mem>>
      %dma_start3A_82 = arith.constant 0 : i32
      %dma_start3A_83 = tpu.memref_slice %arg4[%run_scoped3A, %mul3A_80, %dma_start3A_82] : memref<1x128x256xf32, #tpu.memory_space<hbm>> -> memref<1x8x256xf32, #tpu.memory_space<hbm>>
      %dma_start3A_84 = tpu.memref_squeeze %dma_start3A_83 : memref<1x8x256xf32, #tpu.memory_space<hbm>> -> memref<8x256xf32, #tpu.memory_space<hbm>>
      %dma_start3A_85 = arith.constant 0 : i32
      %dma_start3A_86 = tpu.memref_slice %arg4[%run_scoped3A, %mul3A_80, %dma_start3A_85] : memref<1x128x256xf32, #tpu.memory_space<hbm>> -> memref<1x8x256xf32, #tpu.memory_space<hbm>>
      %dma_start3A_87 = tpu.memref_squeeze %dma_start3A_86 : memref<1x8x256xf32, #tpu.memory_space<hbm>> -> memref<8x256xf32, #tpu.memory_space<hbm>>
      tpu.enqueue_dma source(%arg7 : memref<8x256xf32, #tpu.memory_space<vmem>>) target(%dma_start3A_87 : memref<8x256xf32, #tpu.memory_space<hbm>>) target_semaphore(%run_scoped3A_81 : memref<!tpu.dma_semaphore, #tpu.memory_space<semaphore_mem>>)
      %dma_wait3A_88 = arith.constant 0 : i32
      %dma_wait3A_89 = tpu.memref_slice %arg4[%run_scoped3A, %mul3A_80, %dma_wait3A_88] : memref<1x128x256xf32, #tpu.memory_space<hbm>> -> memref<1x8x256xf32, #tpu.memory_space<hbm>>
      %dma_wait3A_90 = tpu.memref_squeeze %dma_wait3A_89 : memref<1x8x256xf32, #tpu.memory_space<hbm>> -> memref<8x256xf32, #tpu.memory_space<hbm>>
      %dma_wait3A_91 = arith.constant 0 : i32
      %dma_wait3A_92 = tpu.memref_slice %arg4[%run_scoped3A, %mul3A_80, %dma_wait3A_91] : memref<1x128x256xf32, #tpu.memory_space<hbm>> -> memref<1x8x256xf32, #tpu.memory_space<hbm>>
      %dma_wait3A_93 = tpu.memref_squeeze %dma_wait3A_92 : memref<1x8x256xf32, #tpu.memory_space<hbm>> -> memref<8x256xf32, #tpu.memory_space<hbm>>
      tpu.wait_dma2 semaphore(%run_scoped3A_81 : memref<!tpu.dma_semaphore, #tpu.memory_space<semaphore_mem>>) src(%arg7 : memref<8x256xf32, #tpu.memory_space<vmem>>) dst(%dma_wait3A_93 : memref<8x256xf32, #tpu.memory_space<hbm>>)
      tpu.yield
    }) : () -> ()
    return
  }
}

</mosaic_0001>

<sc_bundles>
// kernel: _run.3.cloned.1.call-start
scs
__scs_entry_jumppad:
0x0: {  	(pc) =	sbr.rel $0x88, $3  }
0x1: {  	(tag) =	ssettag $0x0;
	lr =	simm.s32 $0x1  }
0x2: {  	[smem:$0x3F9F] =	sst lr;
	_ =	strace $0xD0000000  }
0x3: {  	_ = 	snop  }
0x4: {  	_ = 	snop  }
0x5: {  	_ = 	snop  }
0x6: {  	_ = 	snop  }
0x7: {  	_ = 	snop  }
__scs_overlays_trampoline_lowered:
0x8: {  	[smem:$0x3FAE] =	sst s0  }
0x9: {  	[smem:$0x3FAF] =	sst s1  }
0xa: {  	[smem:$0x3FB0] =	sst s2  }
0xb: {  	[smem:$0x3FB1] =	sst s3  }
0xc: {  	[smem:$0x3FB2] =	sst s4  }
0xd: {  	[smem:$0x3FB3] =	sst s5  }
0xe: {  	[smem:$0x3FB4] =	sst s6  }
0xf: {  	[smem:$0x3FB5] =	sst s7  }
0x10: {  	[smem:$0x3FB6] =	sst s8  }
0x11: {  	[smem:$0x3FB7] =	sst s9;
	s0 =	simm.s32 @!p0 $0x0  }
0x12: {  	s1 =	sld [smem:$0x3F9D];
	s0 =	simm.s32 @p0 $0x1  }
0x13: {  	[smem:$0x3FB8] =	sst s0;
	s0 =	simm.s32 @!p1 $0x0  }
0x14: {  	s2 =	sld [smem:$0x3F9C];
	s0 =	simm.s32 @p1 $0x1  }
0x15: {  	[smem:$0x3FB9] =	sst s0;
	s0 =	simm.s32 @!p2 $0x0  }
0x16: {  	s3 =	sld [smem:$0x3FDB];
	s0 =	simm.s32 @p2 $0x1  }
0x17: {  	s4 =	simm.s32 $0x1BF5;
	[smem:$0x3FBB] =	sst s0  }
0x18: {  	s0 =	sld [smem:$0x3F9E];
	_ =	swait.ge [sflag:s4], $0x0  }
0x19: {  	s7 =	sld [smem:$0x3F9F]  }
0x1a: {  	s8 =	sadd.s32 $0xFFFFE003, lr  }
0x1b: {  	s9 =	sadd.s32 $0xFFFFFEF7, lr;
	s5 =	simm.s32 $0xFFFFFFFF;
	p2 =	slt.u32 s8, $0xFFFFF086  }
0x1c: {  	p1 =	slt.u32 s9, $0xF7A;
	s5 =	simm.s32 @!p2 $0x0  }
0x1d: {  	s5 =	simm.s32 @p1 $0x1;
	p0 =	seq.s32 s7, s2  }
0x1e: {  	s7 =	smul.u32 @!p0 $0xF7A, s2;
	p2 =	seq.s32 @!p0 s5, $0x0  }
0x1f: {  	s9 =	smul.u32 $0xF7A, s1;
	s8 =	simm.s32 @!p0 $0x1BF5;
	p2 =	por !p2, p0  }
0x20: {  	[sflag:s8] =	ssyncset.s32 @!p0 $0xFFFFF086;
	s6 =	sadd.s32 @!p0 s3, s7;
	s7 =	simm.s32 @!p0 $0x108  }
0x21: {  	s3 =	sadd.s32 s3, s9;
	s6 =	sadd.s32 @!p0 $0x88, s6;
	s7 =	simm.s32 @p2 $0x1082  }
0x22: {  	[simem:s7], [sflag:s8] =	dma.local @!p0 [hbm:s6], $0xF7A  }
0x23: {  	s9 =	sor.u32 $0xD0000000, s2;
	s6 =	simm.s32 $0x108;
	_ =	swait.ge @!p0 [sflag:s8], $0x0  }
0x24: {  	s3 =	sadd.s32 $0x88, s3;
	s6 =	simm.s32 @!p1 $0x1082;
	[sflag:s4] =	ssyncset.s32 $0xFFFFF086  }
0x25: {  	[simem:s6], [sflag:s4] =	dma.local [hbm:s3], $0xF7A  }
0x26: {  	[smem:$0x3F9F] =	sst s1;
	(tag) =	ssettag s2;
	_ =	strace s9  }
0x27: {  	s1 =	sld [smem:$0x3FAF]  }
0x28: {  	s2 =	sld [smem:$0x3FB0]  }
0x29: {  	s4 =	sld [smem:$0x3FB2]  }
0x2a: {  	p0 =	seq.s32 s5, $0x0;
	s5 =	sld [smem:$0x3FB3]  }
0x2b: {  	s6 =	sld [smem:$0x3FB4]  }
0x2c: {  	s7 =	sld [smem:$0x3FB5]  }
0x2d: {  	s3 =	simm.s32 $0x108;
	s8 =	sld [smem:$0x3FB6]  }
0x2e: {  	s3 =	simm.s32 @!p0 $0x1082;
	s9 =	sld [smem:$0x3FB7]  }
0x2f: {  	lr =	sadd.s32 s0, s3;
	s0 =	sld [smem:$0x3FAE]  }
0x30: {  	s3 =	sld [smem:$0x3FB1]  }
0x31: {  	[smem:$0x3FBA] =	sst s10  }
0x32: {  	s10 =	sld [smem:$0x3FB8];
	_ =	sdelay $0x3  }
0x33: {  	p0 =	seq.s32 s10, $0x1;
	s10 =	sld [smem:$0x3FBA];
	_ =	sdelay $0x3  }
0x34: {  	[smem:$0x3FBA] =	sst s10  }
0x35: {  	s10 =	sld [smem:$0x3FB9];
	_ =	sdelay $0x3  }
0x36: {  	p1 =	seq.s32 s10, $0x1;
	s10 =	sld [smem:$0x3FBA];
	_ =	sdelay $0x3  }
0x37: {  	[smem:$0x3FBA] =	sst s10  }
0x38: {  	s10 =	sld [smem:$0x3FBB]  }
0x39: {  	_ = 	snop;
	(pc) =	sbr.ind lr, $3  }
0x3a: {  	_ = 	snop  }
0x3b: {  	_ = 	snop  }
0x3c: {  	p2 =	seq.s32 s10, $0x1;
	s10 =	sld [smem:$0x3FBA]  }
0x3d: {  	_ =	shalt  }
0x3e: {  	_ =	shalt  }
0x3f: {  	_ =	shalt  }
0x40: {  	_ =	shalt  }
0x41: {  	_ =	shalt  }
0x42: {  	_ =	shalt  }
0x43: {  	_ =	shalt  }
0x44: {  	_ =	shalt  }
0x45: {  	_ =	shalt  }
0x46: {  	_ =	shalt  }
0x47: {  	_ =	shalt  }
0x48: {  	_ =	shalt  }
0x49: {  	_ =	shalt  }
0x4a: {  	_ =	shalt  }
0x4b: {  	_ =	shalt  }
0x4c: {  	_ =	shalt  }
0x4d: {  	_ =	shalt  }
0x4e: {  	_ =	shalt  }
0x4f: {  	_ =	shalt  }
0x50: {  	_ =	shalt  }
0x51: {  	_ =	shalt  }
0x52: {  	_ =	shalt  }
0x53: {  	_ =	shalt  }
0x54: {  	_ =	shalt  }
0x55: {  	_ =	shalt  }
0x56: {  	_ =	shalt  }
0x57: {  	_ =	shalt  }
0x58: {  	_ =	shalt  }
0x59: {  	_ =	shalt  }
0x5a: {  	_ =	shalt  }
0x5b: {  	_ =	shalt  }
0x5c: {  	_ =	shalt  }
0x5d: {  	_ =	shalt  }
0x5e: {  	_ =	shalt  }
0x5f: {  	_ =	shalt  }
0x60: {  	_ =	shalt  }
0x61: {  	_ =	shalt  }
0x62: {  	_ =	shalt  }
0x63: {  	_ =	shalt  }
0x64: {  	_ =	shalt  }
0x65: {  	_ =	shalt  }
0x66: {  	_ =	shalt  }
0x67: {  	_ =	shalt  }
0x68: {  	_ =	shalt  }
0x69: {  	_ =	shalt  }
0x6a: {  	_ =	shalt  }
0x6b: {  	_ =	shalt  }
0x6c: {  	_ =	shalt  }
0x6d: {  	_ =	shalt  }
0x6e: {  	_ =	shalt  }
0x6f: {  	_ =	shalt  }
0x70: {  	_ =	shalt  }
0x71: {  	_ =	shalt  }
0x72: {  	_ =	shalt  }
0x73: {  	_ =	shalt  }
0x74: {  	_ =	shalt  }
0x75: {  	_ =	shalt  }
0x76: {  	_ =	shalt  }
0x77: {  	_ =	shalt  }
0x78: {  	_ =	shalt  }
0x79: {  	_ =	shalt  }
0x7a: {  	_ =	shalt  }
0x7b: {  	_ =	shalt  }
0x7c: {  	_ =	shalt  }
0x7d: {  	_ =	shalt  }
0x7e: {  	_ =	shalt  }
0x7f: {  	_ =	shalt  }
0x80: {  	_ =	shalt  }
0x81: {  	_ =	shalt  }
0x82: {  	_ =	shalt  }
0x83: {  	_ =	shalt  }
0x84: {  	_ =	shalt  }
0x85: {  	_ =	shalt  }
0x86: {  	_ =	shalt  }
0x87: {  	_ =	shalt  }
.Lfunc_end0:
.L_simem_size_0:
called_computation_lowered:
.L_overlay_start_0:
0x88: {  	s0 =	sld [smem:$0x3FD9]  }
0x89: {  	s1 =	sld [smem:$0x3FFE];
	_ =	sdelay $0x3  }
0x8a: {  	s0 =	sadd.s32 s1, s0  }
0x8b: {  	[smem:$0x3FC6] =	sst s0  }
0x8c: {  	_ = 	snop  }
0x8d: {  	s0 =	sld [smem:$0x3FC9]  }
0x8e: {  	s17 =	sld [smem:$0x3FC8]  }
0x8f: {  	s2 =	sld [smem:$0x3FD0];
	(tm) =	ssettm $0x1  }
0x90: {  	s3 =	sld [smem:$0x3FFB];
	_ =	sdelay $0x3  }
0x91: {  	_ =	strace s3  }
0x92: {  	s3 =	sld [smem:$0x3FFC];
	_ =	sdelay $0x3  }
0x93: {  	_ =	strace s3  }
0x94: {  	s3 =	sld [smem:$0x3FFD];
	_ =	sdelay $0x3  }
0x95: {  	_ =	strace s3  }
0x96: {  	_ =	strace $0x8FFFFFFF  }
0x97: {  	s18 =	sld [smem:$0x3FDB];
	_ =	sdelay $0x1  }
0x98: {  	s4 =	simm.s32 $_scs_section_size  }
0x99: {  	s5 =	simm.s32 $_size__tile_overlayer_lowered;
	s6 =	simm.s32 $_tile_overlayer_lowered  }
0x9a: {  	s21 =	simm.s32 $0x1BFF;
	s20 =	sshll.u32 s6, $0x1;
	s3 =	sadd.s32 s4, s18  }
0x9b: {  	s7 =	simm.s32 $0x0;
	s19 =	sshll.u32 s5, $0x1;
	s5 =	sadd.s32 s20, s3  }
0x9c: {  	[timem:s7], [sflag:s21] =	dma.local [hbm:s5], s19  }
0x9d: {  	_ =	swait.ge [sflag:s21], s19  }
0x9e: {  	s4 =	ssub.s32 $0x0, s19;
	[sflag:s21] =	ssyncset.done $0x0  }
0x9f: {  	[sflag:s21] =	ssyncadd.s32 s4;
	_ =	sdelay $0x1  }
0xa0: {  	s22 =	simm.s32 $0x1B8B  }
0xa1: {  	_ =	swait.ge [sflag:s22], $0x1  }
0xa2: {  	[sflag:s22] =	ssyncset.done $0x0  }
0xa3: {  	s23 =	simm.s32 $0x1B8E;
	[sflag:s22] =	ssyncadd.s32 $0xFFFFFFFF  }
0xa4: {  	s24 =	simm.s32 $execute0_lowered;
	[smem:$0x3FD2] =	sst s23  }
0xa5: {  	s4 =	sshll.u32 s24, $0x1;
	_ =	strace $0x80000046;
	[dreg:$0x1] =	wrdreg $0xFFFFFFFF  }
0xa6: {  	s25 =	simm.s32 $_size_execute0_lowered;
	s3 =	sadd.s32 s3, s4;
	[dreg:$0x0] =	wrdreg $0x0  }
0xa7: {  	s4 =	sshll.u32 s25, $0x1;
	[dreg:$0x2] =	wrdreg s3  }
0xa8: {  	[dreg:$0x3] =	wrdreg s4  }
0xa9: {  	[dreg:$0x4] =	wrdreg $0xC0  }
0xaa: {  	_ =	task [dreg:s7], $0x5FFFF  }
0xab: {  	[dreg:$0x1] =	wrdreg $0xFFFFFFFF  }
0xac: {  	[dreg:$0x0] =	wrdreg $0x60  }
0xad: {  	[dreg:$0x2] =	wrdreg s0  }
0xae: {  	[dreg:$0x3] =	wrdreg s17  }
0xaf: {  	[dreg:$0x4] =	wrdreg s2  }
0xb0: {  	[dreg:$0x5] =	wrdreg $0x9  }
0xb1: {  	_ =	task.clear_ibuf [dreg:s7], $0x6FFFF;
	_ =	strace $0x90000046  }
0xb2: {  	s26 =	simm.s32 $0x9;
	_ =	strace $0x80000048  }
0xb3: {  	_ =	swait.ge [sflag:s26], $0x1  }
0xb4: {  	[sflag:s26] =	ssyncadd.s32 $0xFFFFFFFF  }
0xb5: {  	_ =	strace $0x90000048  }
0xb6: {  	_ =	sfence  }
0xb7: {  	s28 =	sld [smem:$0x0];
	_ =	sdelay $0x1  }
0xb8: {  	s29 =	srdreg.scid  }
0xb9: {  	s30 =	sshll.u32 s29, $0xD;
	s31 =	sshrl.u32 s29, $0x2  }
0xba: {  	s1 =	sand.u32 $0x1, s29;
	s2 =	sand.u32 $0x4000, s30;
	s0 =	sadd.s32 s31, s28  }
0xbb: {  	s1 =	sor.u32 s2, s1;
	s0 =	sshll.u32 s0, $0x11  }
0xbc: {  	s0 =	sor.u32 s0, s1  }
0xbd: {  	s0 =	sadd.s32 $0x8F2B, s0  }
0xbe: {  	[sflag:s0] =	ssyncadd.remote.s32 $0x1  }
0xbf: {  	_ =	sfence.sel $0xFFFF  }
0xc0: {  	[dreg:$0x0] =	wrdreg $0xFFFFFFFF;
	(pc) =	sbr.abs _section_cstart, $3  }
0xc1: {  	[dreg:$0x1] =	wrdreg $0xFFFFFFFF  }
0xc2: {  	_ =	task.clear_ibuf [dreg:s7], $0x2FFFF;
	_ =	strace $0x9FFFFFFF  }
0xc3: {  	(tm) =	ssettm $0x7FFFFFFF  }
tec
execute0_lowered:
.L_overlay_start_1:
0x0: {  	(tag) =	ssettag $0x1  }
0x1: {  	s2 =	rddreg [dreg:$0x0]  }
0x2: {  	s3 =	rddreg [dreg:$0x1]  }
0x3: {  	s1 =	rddreg [dreg:$0x2];
	s4 =	simm.s32 $0x0  }
0x4: {  	[smem:$0x7FF] =	sst s4  }
0x5: {  	s0 =	rddreg [dreg:$0x3];
	_ =	strace $0x80000047  }
0x6: {  	[tilespmem:s4], [sflag:$0x1] =	stream.linear.gather [hbm4b:s2+s4], $0x5, $0x38;
	[tilespmem:$0x1080] =	vst v63  }
0x7: {  	s17 =	simm.s32 $0x80;
	s18 =	simm.s32 $0x1  }
0x8: {  	[tilespmem:s17], [sflag:$0x2] =	stream.linear.gather [hbm4b:s3+s4], $0x800, $0x38;
	[tilespmem:$0x1080] =	vst v63  }
0x9: {  	_ =	swait.ge [sflag:s18], $0x5  }
0xa: {  	[sflag:s18] =	ssyncset.done $0x0  }
0xb: {  	s19 =	simm.s32 $0x2;
	[sflag:s18] =	ssyncadd.s32 $0xFFFFFFFB  }
0xc: {  	_ =	swait.ge [sflag:s19], $0x800  }
0xd: {  	[sflag:s19] =	ssyncset.done $0x0  }
0xe: {  	[sflag:s19] =	ssyncadd.s32 $0xFFFFF800  }
0xf: {  	v0 =	vld [tilespmem:$0x0];
	_ =	sdelay $0x4  }
0x10: {  	(v2sf) =	vpush v0, $0x0  }
0x11: {  	(v2sf) =	vpush v0, $0x1;
	_ =	sdelay $0x1  }
0x12: {  	(v2sf) =	vpush v0, $0x2;
	_ =	sdelay $0x1  }
0x13: {  	(v2sf) =	vpush v0, $0x3;
	_ =	sdelay $0x1  }
0x14: {  	(v2sf) =	vpush v0, $0x4;
	_ =	sdelay $0x7  }
0x15: {  	s20 =	spop (v2sf)  }
0x16: {  	s6 =	simm.f32 $1.000000000e+00;
	s21 =	spop (v2sf)  }
0x17: {  	s3 =	simm.f32 $1.000000000e+00;
	p0 =	seq.s32 s20, $0x1;
	p1 =	seq.s32 s21, $0x1  }
0x18: {  	s5 =	spop (v2sf);
	s6 =	simm.s32 @!p0 $0x0;
	s3 =	simm.s32 @!p1 $0x0  }
0x19: {  	p0 =	seq.s32 s5, $0x1;
	s5 =	simm.f32 $1.000000000e+00;
	s22 =	sadd.f32 s3, s6  }
0x1a: {  	s7 =	spop (v2sf);
	s5 =	simm.s32 @!p0 $0x0  }
0x1b: {  	p0 =	seq.s32 s7, $0x1;
	s7 =	simm.f32 $1.000000000e+00;
	s2 =	sadd.f32 s22, s5  }
0x1c: {  	s8 =	spop (v2sf);
	s7 =	simm.s32 @!p0 $0x0  }
0x1d: {  	s9 =	simm.f32 $1.000000000e+00;
	p0 =	seq.s32 s8, $0x1;
	s2 =	sadd.f32 s2, s7  }
0x1e: {  	s9 =	simm.s32 @!p0 $0x0  }
0x1f: {  	s2 =	sadd.f32 s2, s9;
	_ =	sdelay $0x1  }
0x20: {  	s10 =	sand.u32 $0x70, s4;
	p1 =	sgt.f32 s2, $1.500000000e+00  }
0x21: {  	s4 =	sand.u32 $0x400, s4;
	s8 =	simm.f32 $5.000000000e-01;
	p3 =	sgt.f32 s2, $2.500000000e+00  }
0x22: {  	p0 =	sgt.f32 s2, $0.0e+00;
	p2 =	sgt.f32 s2, $3.500000000e+00;
	s8 =	simm.s32 @!p1 $0x3F800000  }
0x23: {  	p1 =	sgt.f32 s2, $4.500000000e+00;
	s2 =	sor.u32 s10, s4;
	s8 =	simm.s32 @p3 $0x3EAAAAAB  }
0x24: {  	v2 =	vld [tilespmem:s2+$0x80];
	s8 =	simm.s32 @p2 $0x3E800000  }
0x25: {  	s6 =	simm.s32 @!p0 $0x3F800000;
	v3 =	vld [tilespmem:s2+$0x100];
	s8 =	simm.s32 @p1 $0x3E4CCCCD  }
0x26: {  	s3 =	simm.s32 @!p0 $0x0;
	s23 =	smul.f32 s8, s6  }
0x27: {  	v4 =	vld [tilespmem:s2+$0x180];
	s3 =	smul.f32 s8, s3  }
0x28: {  	s5 =	simm.s32 @!p0 $0x0  }
0x29: {  	s24 =	simm.s32 $0x10;
	s25 =	simm.s32 $0x80;
	v5 =	vld [tilespmem:s2+$0x200];
	s5 =	smul.f32 s8, s5;
	v0 =	vmov s23;
	v1 =	vmov s3  }
0x2a: {  	s7 =	simm.s32 @!p0 $0x0;
	s4 =	sand.u32 $0x400, s25;
	s3 =	sand.u32 $0x70, s24;
	v6 =	vmul.f32 v2, v0;
	v3 =	vmul.f32 v3, v1  }
0x2b: {  	v7 =	vld [tilespmem:s2+$0x280];
	s26 =	smul.f32 s8, s7;
	v2 =	vmov s5;
	s4 =	sor.u32 s3, s4  }
0x2c: {  	s9 =	simm.s32 @!p0 $0x0;
	v8 =	vld [tilespmem:s4+$0x80];
	v4 =	vmul.f32 v4, v2;
	v6 =	vadd.f32 v3, v6  }
0x2d: {  	s28 =	smul.f32 s8, s9;
	v10 =	vld [tilespmem:s4+$0x100];
	v3 =	vmov s26  }
0x2e: {  	v5 =	vmul.f32 v5, v3;
	v9 =	vadd.f32 v4, v6  }
0x2f: {  	v4 =	vmov s28;
	v6 =	vld [tilespmem:s4+$0x180]  }
0x30: {  	v7 =	vmul.f32 v7, v4;
	v11 =	vadd.f32 v5, v9  }
0x31: {  	s29 =	simm.s32 $0x20;
	s6 =	simm.s32 $0x100;
	v5 =	vld [tilespmem:s4+$0x200]  }
0x32: {  	s30 =	sand.u32 $0x70, s29;
	s31 =	sand.u32 $0x400, s6;
	v9 =	vmul.f32 v8, v0;
	v10 =	vmul.f32 v10, v1;
	v7 =	vadd.f32 v7, v11  }
0x33: {  	s7 =	simm.s32 $0x30;
	s3 =	stileid.u32;
	s5 =	sor.u32 s30, s31;
	v8 =	vld [tilespmem:s4+$0x280]  }
.LBB2_1:
0x34: {  	p0 =	sne.s32 s7, $0xF0;
	v11 =	vld [tilespmem:s5+$0x80];
	v9 =	vadd.f32 v10, v9;
	v6 =	vmul.f32 v6, v2;
	[tilespmem:s2+$0xC00] =	vst v7;
	v12 =	vmov v7;
	s8 =	smov.u32 s4;
	s4 =	smov.u32 s5  }
0x35: {  	v7 =	vld [tilespmem:s4+$0x100];
	[tilespmem:s2+$0x880] =	vst v12  }
0x36: {  	v9 =	vadd.f32 v6, v9;
	v5 =	vmul.f32 v5, v3;
	[tilespmem:s2+$0x900] =	vst v12  }
.Ltmp0:
0x37: {  	v6 =	vld [tilespmem:s4+$0x180];
	[tilespmem:s2+$0x980] =	vst v12;
	(pc) =	sbr.rel @p0 .LBB2_1-.Ltmp0, $4  }
0x38: {  	v13 =	vadd.f32 v5, v9;
	v8 =	vmul.f32 v8, v4;
	[tilespmem:s2+$0xA00] =	vst v12  }
0x39: {  	s6 =	sadd.s32 $0x80, s6;
	v5 =	vld [tilespmem:s4+$0x200];
	[tilespmem:s2+$0xA80] =	vst v12  }
0x3a: {  	s5 =	sand.u32 $0x70, s7;
	s9 =	sand.u32 $0x400, s6;
	v9 =	vmul.f32 v11, v0;
	v10 =	vmul.f32 v7, v1;
	v7 =	vadd.f32 v8, v13;
	[tilespmem:s2+$0xB00] =	vst v12  }
0x3b: {  	s7 =	sadd.s32 $0x10, s7;
	s5 =	sor.u32 s5, s9;
	v8 =	vld [tilespmem:s4+$0x280];
	[tilespmem:s2+$0xB80] =	vst v12;
	s2 =	smov.u32 s8  }
0x3c: {  	v11 =	vld [tilespmem:s5+$0x80];
	[tilespmem:s2+$0xC00] =	vst v7;
	v9 =	vadd.f32 v10, v9;
	v6 =	vmul.f32 v6, v2  }
0x3d: {  	v12 =	vld [tilespmem:s5+$0x100];
	[tilespmem:s2+$0x880] =	vst v7  }
0x3e: {  	[tilespmem:s2+$0x900] =	vst v7;
	v6 =	vadd.f32 v6, v9;
	v5 =	vmul.f32 v5, v3  }
0x3f: {  	v57 =	vld [tilespmem:s5+$0x180];
	[tilespmem:s2+$0x980] =	vst v7  }
0x40: {  	[tilespmem:s2+$0xA00] =	vst v7;
	v5 =	vadd.f32 v5, v6;
	v59 =	vmul.f32 v8, v4  }
0x41: {  	v58 =	vld [tilespmem:s5+$0x200];
	[tilespmem:s2+$0xA80] =	vst v7  }
0x42: {  	[tilespmem:s2+$0xB00] =	vst v7;
	v0 =	vmul.f32 v11, v0;
	v1 =	vmul.f32 v12, v1;
	v5 =	vadd.f32 v59, v5  }
0x43: {  	v60 =	vld [tilespmem:s5+$0x280];
	[tilespmem:s2+$0xB80] =	vst v7  }
0x44: {  	v61 =	vmul.f32 v57, v2;
	v0 =	vadd.f32 v1, v0;
	[tilespmem:s4+$0xC00] =	vst v5  }
0x45: {  	[tilespmem:s4+$0x880] =	vst v5  }
0x46: {  	v62 =	vmul.f32 v58, v3;
	[tilespmem:s4+$0x900] =	vst v5;
	v0 =	vadd.f32 v61, v0  }
0x47: {  	[tilespmem:s4+$0x980] =	vst v5  }
0x48: {  	[tilespmem:s4+$0xA00] =	vst v5;
	v63 =	vmul.f32 v60, v4;
	v0 =	vadd.f32 v62, v0  }
0x49: {  	[tilespmem:s4+$0xA80] =	vst v5  }
0x4a: {  	[tilespmem:s4+$0xB00] =	vst v5;
	v0 =	vadd.f32 v63, v0  }
0x4b: {  	[tilespmem:s4+$0xB80] =	vst v5  }
0x4c: {  	[tilespmem:s5+$0xC00] =	vst v0  }
0x4d: {  	[tilespmem:s5+$0x880] =	vst v0  }
0x4e: {  	[tilespmem:s5+$0x900] =	vst v0  }
0x4f: {  	[tilespmem:s5+$0x980] =	vst v0  }
0x50: {  	[tilespmem:s5+$0xA00] =	vst v0  }
0x51: {  	[tilespmem:s5+$0xA80] =	vst v0  }
0x52: {  	s28 =	sshll.u32 s3, $0x8;
	s29 =	simm.s32 $0x0;
	[tilespmem:s5+$0xB00] =	vst v0  }
0x53: {  	s30 =	simm.s32 $0x880;
	s31 =	simm.s32 $0x3;
	s1 =	sadd.s32 s1, s28;
	[tilespmem:s5+$0xB80] =	vst v0  }
0x54: {  	[hbm4b:s1+s29] =	stream.linear.scatter [tilespmem:s30], [sflag:$0x3], $0x800, $0x38;
	[tilespmem:$0x1080] =	vst v63  }
0x55: {  	_ =	swait.ge [sflag:s31], $0x800  }
0x56: {  	[sflag:s31] =	ssyncset.done $0x0  }
0x57: {  	[sflag:s31] =	ssyncadd.s32 $0xFFFFF800  }
0x58: {  	_ =	sfence.sel $0x180000  }
0x59: {  	[bflag:$0x0] =	sbarrier.arrive $0xFFFF  }
0x5a: {  	p0 =	sne.s32 s3, $0x0;
	_ =	strace $0x90000047  }
0x5b: {  	s0 =	sadd.s32 @!p0 $0x100000, s0;
	[bflag:$0x2] =	sbarrier.arrive $0xFFFF  }
0x5c: {  	[sflag:s0] =	ssyncadd.tile.s32 @!p0 $0x1;
	_ =	shalt  }
.Lfunc_end2:
_tile_overlayer_lowered:
.L_overlay_start_2:
0x5d: {  	(tag) =	ssettag $0x2  }
0x5e: {  	s0 =	rddreg [dreg:$0x0];
	s2 =	stileid.u32  }
0x5f: {  	s1 =	rddreg [dreg:$0x1];
	p0 =	sne.s32 s2, $0x0  }
0x60: {  	s3 =	rddreg [dreg:$0x2];
	[bflag:$0x3] =	sbarrier.arrive $0xFFFF;
	s2 =	simm.s32 @!p0 $0x1C03  }
0x61: {  	[timem:s3], [sflag:s2] =	dma.local @!p0 [hbm:s0], s1  }
0x62: {  	s0 =	simm.s32 @!p0 $0x3  }
0x63: {  	_ =	swait.ge @!p0 [sflag:s0], s1  }
0x64: {  	s1 =	ssub.s32 @!p0 $0x0, s1;
	[sflag:s0] =	ssyncset.done @!p0 $0x0  }
0x65: {  	[sflag:s0] =	ssyncadd.s32 @!p0 s1  }
0x66: {  	[bflag:$0x3] =	sbarrier.arrive $0xFFFF  }
0x67: {  	_ =	shalt  }

</sc_bundles>
